<compile_context>
chip_gen: v7x
topology: tpu7x:2x2x1
jax: 0.10.2.dev20260603
libtpu: 0.0.44.dev20260713+nightly
codegen_flags: <defaults>
</compile_context>

<pallas_src>
import dataclasses

import jax
import jax.numpy as jnp
from jax import lax
from jax.experimental import pallas as pl
from jax.experimental.pallas import tpu as pltpu
from jax.experimental.pallas import tpu_sc as plsc

_N = 16384
_C = 1000
_K = int(_N * 0.7)
_BLOCK = 2048
_GRID = _N // _BLOCK

_LANES = 16
_WORKERS = 32
_BPW = _N // _WORKERS


def _sc_gather(table, rows, offs):

    cp = pltpu.CompilerParams()
    if "needs_layout_passes" in pltpu.CompilerParams.__dataclass_fields__:
        cp = dataclasses.replace(cp, needs_layout_passes=False)
    if "use_tc_tiling_on_sc" in pltpu.CompilerParams.__dataclass_fields__:
        cp = dataclasses.replace(cp, use_tc_tiling_on_sc=False)

    @pl.kernel(
        out_type=jax.ShapeDtypeStruct((_N,), jnp.float32),
        mesh=plsc.VectorSubcoreMesh(core_axis_name="c", subcore_axis_name="s"),
        compiler_params=cp,
        scratch_types=[
            pltpu.VMEM((_BPW,), jnp.int32),
            pltpu.VMEM((_BPW,), jnp.int32),
            pltpu.VMEM((_BPW, _LANES), jnp.float32),
            pltpu.VMEM((_BPW,), jnp.float32),
            pltpu.SemaphoreType.DMA,
        ],
    )
    def k(table_hbm, rows_hbm, offs_hbm, out_hbm, rows_v, offs_v, data_v,
          val_v, sem):
        wid = lax.axis_index("s") * 2 + lax.axis_index("c")
        base = wid * _BPW
        pltpu.sync_copy(rows_hbm.at[pl.ds(base, _BPW)], rows_v)
        pltpu.sync_copy(offs_hbm.at[pl.ds(base, _BPW)], offs_v)
        pltpu.async_copy(table_hbm.at[rows_v], data_v, sem).wait()

        @pl.loop(0, _BPW, step=_LANES)
        def _(c):
            i0 = lax.broadcasted_iota(jnp.int32, (_LANES,), 0) + c
            off = offs_v[pl.ds(c, _LANES)]
            val_v[pl.ds(c, _LANES)] = plsc.load_gather(data_v, [i0, off])

        pltpu.sync_copy(val_v, out_hbm.at[pl.ds(base, _BPW)])

    return k(table, rows, offs)


def _dense_kernel(logits_ref, labels_ref, lse_ref, acc_ref, corr_scr):
    i = pl.program_id(0)
    x = logits_ref[...]
    lab = labels_ref[...]
    col = jax.lax.broadcasted_iota(jnp.int32, (_BLOCK, _C), 1)
    m = jnp.max(x, axis=1, keepdims=True)
    s = jnp.sum(jnp.exp(x - m), axis=1, keepdims=True)
    lse = jnp.log(s) + m
    am = jnp.min(jnp.where(x == m, col, _C), axis=1, keepdims=True)
    corr = jnp.sum((am == lab).astype(jnp.float32))

    lse_ref[...] = jnp.transpose(lse, (1, 0)).reshape(1, 1, _BLOCK)

    @pl.when(i == 0)
    def _():
        corr_scr[0, 0] = corr

    @pl.when(i > 0)
    def _():
        corr_scr[0, 0] = corr_scr[0, 0] + corr

    @pl.when(i == _GRID - 1)
    def _():
        acc_ref[...] = jnp.full((1, 1), corr_scr[0, 0] / jnp.float32(_N),
                                jnp.float32)


def _final_kernel(lse_ref, xlab_ref, loss_ref):
    losses = lse_ref[...] - xlab_ref[...]
    bits = jax.lax.bitcast_convert_type(losses, jnp.uint32)
    ukey = jnp.where(bits >= jnp.uint32(0x80000000),
                     ~bits, bits | jnp.uint32(0x80000000))

    def body(j, cand):
        cand2 = cand | (jnp.uint32(0x80000000) >> j)
        cnt = jnp.sum((ukey >= cand2).astype(jnp.int32))
        return jnp.where(cnt >= _K, cand2, cand)

    cand = jax.lax.fori_loop(0, 32, body, jnp.uint32(0))
    gt = ukey > cand
    n_gt = jnp.sum(gt.astype(jnp.float32))
    s_gt = jnp.sum(jnp.where(gt, losses, 0.0))
    tbits = jnp.where(cand >= jnp.uint32(0x80000000),
                      cand ^ jnp.uint32(0x80000000), ~cand)
    t = jax.lax.bitcast_convert_type(tbits, jnp.float32)
    lval = (s_gt + (jnp.float32(_K) - n_gt) * t) / jnp.float32(_K)
    loss_ref[...] = jnp.full((1, 1), lval, jnp.float32)


def kernel(logits, labels):
    labels2 = labels.reshape(_N, 1).astype(jnp.int32)
    flat = jnp.arange(_N, dtype=jnp.int32) * _C + labels.astype(jnp.int32)
    rows = flat >> 4
    offs = flat & 15
    table = logits.reshape(_N * _C // _LANES, _LANES)

    xlab = _sc_gather(table, rows, offs)

    lse, acc = pl.pallas_call(
        _dense_kernel,
        grid=(_GRID,),
        in_specs=[
            pl.BlockSpec((_BLOCK, _C), lambda i: (i, 0)),
            pl.BlockSpec((_BLOCK, 1), lambda i: (i, 0)),
        ],
        out_specs=[
            pl.BlockSpec((1, 1, _BLOCK), lambda i: (i, 0, 0)),
            pl.BlockSpec((1, 1), lambda i: (0, 0)),
        ],
        out_shape=[
            jax.ShapeDtypeStruct((_GRID, 1, _BLOCK), jnp.float32),
            jax.ShapeDtypeStruct((1, 1), jnp.float32),
        ],
        scratch_shapes=[
            pltpu.SMEM((1, 1), jnp.float32),
        ],
        compiler_params=pltpu.CompilerParams(
            dimension_semantics=("arbitrary",),
        ),
    )(logits, labels2)

    loss = pl.pallas_call(
        _final_kernel,
        in_specs=[
            pl.BlockSpec((_GRID, _BLOCK), lambda: (0, 0)),
            pl.BlockSpec((_GRID, _BLOCK), lambda: (0, 0)),
        ],
        out_specs=pl.BlockSpec((1, 1), lambda: (0, 0)),
        out_shape=jax.ShapeDtypeStruct((1, 1), jnp.float32),
    )(lse.reshape(_GRID, _BLOCK), xlab.reshape(_GRID, _BLOCK))

    return loss[0, 0], acc[0, 0]

# --- scband reference (transcript-rebuilt; emitter-appended) ---
"""Pipeline reference for scband-eval-block-23098334118077 (READ-ONLY COPY).

The authoritative reference and input builder live on the scoring server;
editing this copy changes nothing except your own understanding.
"""

import jax, jax.numpy as jnp
import numpy as np

OHEM_RATE = 0.7


def setup_inputs(seed: int = 0) -> dict:
    key = jax.random.key(seed)
    k1, k2 = jax.random.split(key)
    logits = jax.random.normal(k1, (16384, 1000), dtype=jnp.float32)
    labels = jax.random.randint(k2, (16384,), 0, 1000, dtype=jnp.int32)
    return {"logits": logits, "labels": labels}


def reference(logits, labels):
    # CrossEntropyLoss(reduction='none'), no class weights
    logp = jax.nn.log_softmax(logits, axis=1)
    losses = -jnp.take_along_axis(logp, labels[:, None].astype(jnp.int32), axis=1)[:, 0]
    # OHEM: keep top ohem_rate fraction of hardest examples
    N = losses.shape[0]
    keep_size = int(N * OHEM_RATE)
    ohem_losses, ohem_indices = jax.lax.top_k(losses, keep_size)
    loss = jnp.mean(ohem_losses)
    # accuracy
    preds = jnp.argmax(logits, axis=1)
    corrects = (labels.astype(jnp.int32) == preds.astype(jnp.int32))
    acc = jnp.sum(corrects) / (corrects.shape[0] + 0.0)
    return (loss, acc)

if __name__ == "__main__":
    import jax
    _d = setup_inputs()
    print(jax.jit(kernel)(*tuple(_d.values())))

</pallas_src>

<mosaic_0001>
#map = affine_map<(d0, d1) -> (0, 0)>
#map1 = affine_map<(d0, d1) -> (0)>
module attributes {stable_mosaic.version = 14 : i64} {
  func.func @k(%arg0: i32, %arg1: i32, %arg2: memref<1024000x16xf32, #tpu.memory_space<hbm>>, %arg3: memref<16384xi32, #tpu.memory_space<hbm>>, %arg4: memref<16384xi32, #tpu.memory_space<hbm>>, %arg5: memref<16384xf32, #tpu.memory_space<hbm>>, %arg6: memref<512xi32, #tpu.memory_space<vmem>>, %arg7: memref<512xi32, #tpu.memory_space<vmem>>, %arg8: memref<512x16xf32, #tpu.memory_space<vmem>>, %arg9: memref<512xf32, #tpu.memory_space<vmem>>, %arg10: memref<!tpu.dma_semaphore, #tpu.memory_space<semaphore_mem>>) attributes {dimension_semantics = [#tpu.dimension_semantics<core_parallel>, #tpu.dimension_semantics<subcore_parallel>], iteration_bounds = array<i64: 2, 16>, scalar_prefetch = 0 : i64, scratch_operands = 5 : i64, tpu.core_type = #tpu.core_type<sc_vector_subcore>, window_params = [{transform_indices = #map}, {transform_indices = #map1}, {transform_indices = #map1}, {transform_indices = #map1}]} {
    %mul3A = arith.constant 2 : i32
    %mul3A_0 = arith.muli %arg1, %mul3A : i32
    %add3A = arith.addi %mul3A_0, %arg0 : i32
    %mul3A_1 = arith.constant 512 : i32
    %mul3A_2 = arith.muli %add3A, %mul3A_1 : i32
    "tpu.region"() ({
      %run_scoped3A = tpu.sem_alloc : memref<!tpu.dma_semaphore, #tpu.memory_space<semaphore_mem>>
      %dma_start3A_11 = tpu.memref_slice %arg3[%mul3A_2] : memref<16384xi32, #tpu.memory_space<hbm>> -> memref<512xi32, #tpu.memory_space<hbm>>
      %dma_start3A_12 = tpu.memref_slice %arg3[%mul3A_2] : memref<16384xi32, #tpu.memory_space<hbm>> -> memref<512xi32, #tpu.memory_space<hbm>>
      tpu.enqueue_dma source(%dma_start3A_12 : memref<512xi32, #tpu.memory_space<hbm>>) target(%arg6 : memref<512xi32, #tpu.memory_space<vmem>>) target_semaphore(%run_scoped3A : memref<!tpu.dma_semaphore, #tpu.memory_space<semaphore_mem>>)
      %dma_wait3A_13 = tpu.memref_slice %arg3[%mul3A_2] : memref<16384xi32, #tpu.memory_space<hbm>> -> memref<512xi32, #tpu.memory_space<hbm>>
      %dma_wait3A_14 = tpu.memref_slice %arg3[%mul3A_2] : memref<16384xi32, #tpu.memory_space<hbm>> -> memref<512xi32, #tpu.memory_space<hbm>>
      tpu.wait_dma2 semaphore(%run_scoped3A : memref<!tpu.dma_semaphore, #tpu.memory_space<semaphore_mem>>) src(%dma_wait3A_14 : memref<512xi32, #tpu.memory_space<hbm>>) dst(%arg6 : memref<512xi32, #tpu.memory_space<vmem>>)
      tpu.yield
    }) : () -> ()
    "tpu.region"() ({
      %run_scoped3A = tpu.sem_alloc : memref<!tpu.dma_semaphore, #tpu.memory_space<semaphore_mem>>
      %dma_start3A_11 = tpu.memref_slice %arg4[%mul3A_2] : memref<16384xi32, #tpu.memory_space<hbm>> -> memref<512xi32, #tpu.memory_space<hbm>>
      %dma_start3A_12 = tpu.memref_slice %arg4[%mul3A_2] : memref<16384xi32, #tpu.memory_space<hbm>> -> memref<512xi32, #tpu.memory_space<hbm>>
      tpu.enqueue_dma source(%dma_start3A_12 : memref<512xi32, #tpu.memory_space<hbm>>) target(%arg7 : memref<512xi32, #tpu.memory_space<vmem>>) target_semaphore(%run_scoped3A : memref<!tpu.dma_semaphore, #tpu.memory_space<semaphore_mem>>)
      %dma_wait3A_13 = tpu.memref_slice %arg4[%mul3A_2] : memref<16384xi32, #tpu.memory_space<hbm>> -> memref<512xi32, #tpu.memory_space<hbm>>
      %dma_wait3A_14 = tpu.memref_slice %arg4[%mul3A_2] : memref<16384xi32, #tpu.memory_space<hbm>> -> memref<512xi32, #tpu.memory_space<hbm>>
      tpu.wait_dma2 semaphore(%run_scoped3A : memref<!tpu.dma_semaphore, #tpu.memory_space<semaphore_mem>>) src(%dma_wait3A_14 : memref<512xi32, #tpu.memory_space<hbm>>) dst(%arg7 : memref<512xi32, #tpu.memory_space<vmem>>)
      tpu.yield
    }) : () -> ()
    %dma_start3A = arith.constant 0 : i32
    %dma_start3A_3 = arith.constant 0 : i32
    %dma_start3A_4 = tpu.memref_slice %arg2[%dma_start3A, %dma_start3A_3] : memref<1024000x16xf32, #tpu.memory_space<hbm>> -> memref<1024000x16xf32, #tpu.memory_space<hbm>>
    tpu.enqueue_indirect_dma source(%dma_start3A_4 : memref<1024000x16xf32, #tpu.memory_space<hbm>>) target(%arg8 : memref<512x16xf32, #tpu.memory_space<vmem>>) offsets(%arg6 : memref<512xi32, #tpu.memory_space<vmem>>) semaphore(%arg10 : memref<!tpu.dma_semaphore, #tpu.memory_space<semaphore_mem>>)
    %dma_wait3A = arith.constant 0 : i32
    %dma_wait3A_5 = arith.constant 0 : i32
    %dma_wait3A_6 = tpu.memref_slice %arg2[%dma_wait3A, %dma_wait3A_5] : memref<1024000x16xf32, #tpu.memory_space<hbm>> -> memref<1024000x16xf32, #tpu.memory_space<hbm>>
    tpu.wait_indirect_dma semaphore(%arg10 : memref<!tpu.dma_semaphore, #tpu.memory_space<semaphore_mem>>) src(%dma_wait3A_6 : memref<1024000x16xf32, #tpu.memory_space<hbm>>) dst(%arg8 : memref<512x16xf32, #tpu.memory_space<vmem>>)
    %scan3A = arith.constant 0 : i32
    %scan3A_7 = arith.constant 32 : i32
    %scan3A_8 = arith.addi %scan3A, %scan3A_7 : i32
    %scan3A_9 = arith.constant 1 : i32
    scf.for %scan3A_11 = %scan3A to %scan3A_8 step %scan3A_9  : i32 {
      %mul3A_12 = arith.constant 16 : i32
      %mul3A_13 = arith.muli %scan3A_11, %mul3A_12 : i32
      %add3A_14 = arith.constant 0 : i32
      %add3A_15 = arith.addi %add3A_14, %mul3A_13 : i32
      %iota3A = tpu.iota {dimensions = array<i32: 0>} : vector<16xi32>
      %add3A_16 = vector.broadcast %add3A_15 : i32 to vector<16xi32>
      %add3A_17 = arith.addi %iota3A, %add3A_16 : vector<16xi32>
      %get3A = arith.index_cast %add3A_15 : i32 to index
      %get3A_18 = tpu.vector_load %arg7[%get3A] {strides = array<i32>} : memref<512xi32, #tpu.memory_space<vmem>>, vector<16xi32>,
      %gather3A = tpu.vector_load_idx %arg8[%add3A_17, %get3A_18] : memref<512x16xf32, #tpu.memory_space<vmem>>[vector<16xi32>, vector<16xi32>], vector<16xf32>,
      %swap3A = arith.index_cast %add3A_15 : i32 to index
      %swap3A_19 = tpu.vector_load %arg9[%swap3A] {strides = array<i32>} : memref<512xf32, #tpu.memory_space<vmem>>, vector<16xf32>,
      tpu.vector_store %arg9[%swap3A], %gather3A {strides = array<i32>} : memref<512xf32, #tpu.memory_space<vmem>>, vector<16xf32>,
    }
    %scan3A_10 = arith.constant 32 : i32
    "tpu.region"() ({
      %run_scoped3A = tpu.sem_alloc : memref<!tpu.dma_semaphore, #tpu.memory_space<semaphore_mem>>
      %dma_start3A_11 = tpu.memref_slice %arg5[%mul3A_2] : memref<16384xf32, #tpu.memory_space<hbm>> -> memref<512xf32, #tpu.memory_space<hbm>>
      %dma_start3A_12 = tpu.memref_slice %arg5[%mul3A_2] : memref<16384xf32, #tpu.memory_space<hbm>> -> memref<512xf32, #tpu.memory_space<hbm>>
      tpu.enqueue_dma source(%arg9 : memref<512xf32, #tpu.memory_space<vmem>>) target(%dma_start3A_12 : memref<512xf32, #tpu.memory_space<hbm>>) target_semaphore(%run_scoped3A : memref<!tpu.dma_semaphore, #tpu.memory_space<semaphore_mem>>)
      %dma_wait3A_13 = tpu.memref_slice %arg5[%mul3A_2] : memref<16384xf32, #tpu.memory_space<hbm>> -> memref<512xf32, #tpu.memory_space<hbm>>
      %dma_wait3A_14 = tpu.memref_slice %arg5[%mul3A_2] : memref<16384xf32, #tpu.memory_space<hbm>> -> memref<512xf32, #tpu.memory_space<hbm>>
      tpu.wait_dma2 semaphore(%run_scoped3A : memref<!tpu.dma_semaphore, #tpu.memory_space<semaphore_mem>>) src(%arg9 : memref<512xf32, #tpu.memory_space<vmem>>) dst(%dma_wait3A_14 : memref<512xf32, #tpu.memory_space<hbm>>)
      tpu.yield
    }) : () -> ()
    return
  }
}

module attributes {stable_mosaic.version = 14 : i64} {
  func.func @_dense_kernel(%arg0: i32, %arg1: memref<2048x1000xf32, #tpu.memory_space<vmem>>, %arg2: memref<2048x1xi32, #tpu.memory_space<vmem>>, %arg3: memref<1x1x2048xf32, #tpu.memory_space<vmem>>, %arg4: memref<1x1xf32, #tpu.memory_space<vmem>>, %arg5: memref<1x1xf32, #tpu.memory_space<smem>>) attributes {dimension_semantics = [#tpu.dimension_semantics<arbitrary>], iteration_bounds = array<i64: 8>, scalar_prefetch = 0 : i64, scratch_operands = 1 : i64, tpu.core_type = #tpu.core_type<tc>, window_params = [{transform_indices = @transform_0, window_bounds = array<i64: 2048, 1000>}, {transform_indices = @transform_1, window_bounds = array<i64: 2048, 1>}, {transform_indices = @transform_2, window_bounds = array<i64: 1, 1, 2048>}, {pipeline_mode = #tpu.pipeline_mode<synchronous>, transform_indices = @transform_3, window_bounds = array<i64: 1, 1>}]} {
    %get3A = arith.constant 0 : index
    %get3A_0 = arith.constant 0 : index
    %get3A_1 = vector.load %arg1[%get3A, %get3A_0] : memref<2048x1000xf32, #tpu.memory_space<vmem>>, vector<2048x1000xf32>
    %get3A_2 = arith.constant 0 : index
    %get3A_3 = arith.constant 0 : index
    %get3A_4 = vector.load %arg2[%get3A_2, %get3A_3] : memref<2048x1xi32, #tpu.memory_space<vmem>>, vector<2048x1xi32>
    %iota3A = tpu.iota {dimensions = array<i32: 1>} : vector<2048x1000xi32>
    %reduce_max3A = arith.constant dense<0xFF800000> : vector<2048xf32>
    %reduce_max3A_5 = vector.multi_reduction <maximumf>, %get3A_1, %reduce_max3A [1] : vector<2048x1000xf32> to vector<2048xf32>
    %broadcast_in_dim3A = vector.shape_cast %reduce_max3A_5 : vector<2048xf32> to vector<2048x1xf32>
    %sub3A = vector.broadcast %broadcast_in_dim3A : vector<2048x1xf32> to vector<2048x1000xf32>
    %sub3A_6 = arith.subf %get3A_1, %sub3A : vector<2048x1000xf32>
    %exp3A = math.exp %sub3A_6 : vector<2048x1000xf32>
    %reduce_sum3A = arith.constant dense<0.000000e+00> : vector<2048xf32>
    %reduce_sum3A_7 = vector.multi_reduction <add>, %exp3A, %reduce_sum3A [1] : vector<2048x1000xf32> to vector<2048xf32>
    %broadcast_in_dim3A_8 = vector.shape_cast %reduce_sum3A_7 : vector<2048xf32> to vector<2048x1xf32>
    %log3A = math.log %broadcast_in_dim3A_8 : vector<2048x1xf32>
    %add3A = arith.addf %log3A, %broadcast_in_dim3A : vector<2048x1xf32>
    %eq3A = vector.broadcast %broadcast_in_dim3A : vector<2048x1xf32> to vector<2048x1000xf32>
    %eq3A_9 = arith.cmpf oeq, %get3A_1, %eq3A : vector<2048x1000xf32>
    %jit3A = arith.constant 1000 : i32
    %broadcast_in_dim3A_10 = vector.broadcast %jit3A : i32 to vector<2048x1000xi32>
    %select_n3A = arith.select %eq3A_9, %iota3A, %broadcast_in_dim3A_10 : vector<2048x1000xi1>, vector<2048x1000xi32>
    %reduce_min3A = arith.constant dense<2147483647> : vector<2048xi32>
    %reduce_min3A_11 = vector.multi_reduction <minsi>, %select_n3A, %reduce_min3A [1] : vector<2048x1000xi32> to vector<2048xi32>
    %broadcast_in_dim3A_12 = vector.shape_cast %reduce_min3A_11 : vector<2048xi32> to vector<2048x1xi32>
    %eq3A_13 = arith.cmpi eq, %broadcast_in_dim3A_12, %get3A_4 : vector<2048x1xi32>
    %convert_element_type3A = arith.extui %eq3A_13 : vector<2048x1xi1> to vector<2048x1xi32>
    %convert_element_type3A_14 = arith.sitofp %convert_element_type3A : vector<2048x1xi32> to vector<2048x1xf32>
    %reduce_sum3A_15 = vector.shape_cast %convert_element_type3A_14 : vector<2048x1xf32> to vector<1x2048x1xf32>
    %reduce_sum3A_16 = arith.constant dense<0.000000e+00> : vector<1xf32>
    %reduce_sum3A_17 = vector.multi_reduction <add>, %reduce_sum3A_15, %reduce_sum3A_16 [1, 2] : vector<1x2048x1xf32> to vector<1xf32>
    %reduce_sum3A_18 = vector.shape_cast %reduce_sum3A_17 : vector<1xf32> to vector<1x1x1xf32>
    %reduce_sum3A_19 = vector.extract %reduce_sum3A_18[0, 0, 0] : f32 from vector<1x1x1xf32>
    %transpose3A = tpu.transpose %add3A, [1, 0] : vector<2048x1xf32> -> vector<1x2048xf32>
    %reshape3A = vector.shape_cast %transpose3A : vector<1x2048xf32> to vector<1x1x2048xf32>
    %swap3A = arith.constant 0 : index
    %swap3A_20 = arith.constant 0 : index
    %swap3A_21 = arith.constant 0 : index
    %swap3A_22 = vector.load %arg3[%swap3A, %swap3A_20, %swap3A_21] : memref<1x1x2048xf32, #tpu.memory_space<vmem>>, vector<1x1x2048xf32>
    tpu.vector_store %arg3[%swap3A, %swap3A_20, %swap3A_21], %reshape3A {strides = array<i32>} : memref<1x1x2048xf32, #tpu.memory_space<vmem>>, vector<1x1x2048xf32>,
    %eq3A_23 = arith.constant 0 : i32
    %eq3A_24 = arith.cmpi eq, %arg0, %eq3A_23 : i32
    %convert_element_type3A_25 = arith.extui %eq3A_24 : i1 to i32
    %cond3A = arith.constant 0 : i32
    %cond3A_26 = arith.cmpi ne, %convert_element_type3A_25, %cond3A : i32
    scf.if %cond3A_26 {
      %swap3A_36 = arith.constant 0 : index
      %swap3A_37 = arith.constant 0 : index
      %swap3A_38 = memref.load %arg5[%swap3A_36, %swap3A_37] : memref<1x1xf32, #tpu.memory_space<smem>>
      memref.store %reduce_sum3A_19, %arg5[%swap3A_36, %swap3A_37] : memref<1x1xf32, #tpu.memory_space<smem>>
    } else {
    }
    %gt3A = arith.constant 0 : i32
    %gt3A_27 = arith.cmpi sgt, %arg0, %gt3A : i32
    %convert_element_type3A_28 = arith.extui %gt3A_27 : i1 to i32
    %cond3A_29 = arith.constant 0 : i32
    %cond3A_30 = arith.cmpi ne, %convert_element_type3A_28, %cond3A_29 : i32
    scf.if %cond3A_30 {
      %get3A_36 = arith.constant 0 : index
      %get3A_37 = arith.constant 0 : index
      %get3A_38 = memref.load %arg5[%get3A_36, %get3A_37] : memref<1x1xf32, #tpu.memory_space<smem>>
      %add3A_39 = arith.addf %get3A_38, %reduce_sum3A_19 : f32
      %swap3A_40 = arith.constant 0 : index
      %swap3A_41 = arith.constant 0 : index
      %swap3A_42 = memref.load %arg5[%swap3A_40, %swap3A_41] : memref<1x1xf32, #tpu.memory_space<smem>>
      memref.store %add3A_39, %arg5[%swap3A_40, %swap3A_41] : memref<1x1xf32, #tpu.memory_space<smem>>
    } else {
    }
    %eq3A_31 = arith.constant 7 : i32
    %eq3A_32 = arith.cmpi eq, %arg0, %eq3A_31 : i32
    %convert_element_type3A_33 = arith.extui %eq3A_32 : i1 to i32
    %cond3A_34 = arith.constant 0 : i32
    %cond3A_35 = arith.cmpi ne, %convert_element_type3A_33, %cond3A_34 : i32
    scf.if %cond3A_35 {
      %get3A_36 = arith.constant 0 : index
      %get3A_37 = arith.constant 0 : index
      %get3A_38 = memref.load %arg5[%get3A_36, %get3A_37] : memref<1x1xf32, #tpu.memory_space<smem>>
      %div3A = arith.constant 1.638400e+04 : f32
      %div3A_39 = arith.divf %get3A_38, %div3A : f32
      %broadcast_in_dim3A_40 = vector.broadcast %div3A_39 : f32 to vector<1x1xf32>
      %swap3A_41 = arith.constant 0 : index
      %swap3A_42 = arith.constant 0 : index
      %swap3A_43 = vector.load %arg4[%swap3A_41, %swap3A_42] : memref<1x1xf32, #tpu.memory_space<vmem>>, vector<1x1xf32>
      tpu.vector_store %arg4[%swap3A_41, %swap3A_42], %broadcast_in_dim3A_40 {strides = array<i32>} : memref<1x1xf32, #tpu.memory_space<vmem>>, vector<1x1xf32>,
    } else {
    }
    return
  }
  func.func @transform_0(%arg0: i32) -> (i32, i32) {
    %c0_i32 = arith.constant 0 : i32
    %c0_i32_0 = arith.constant 0 : i32
    return %arg0, %c0_i32 : i32, i32
  }
  func.func @transform_1(%arg0: i32) -> (i32, i32) {
    %c0_i32 = arith.constant 0 : i32
    %c0_i32_0 = arith.constant 0 : i32
    return %arg0, %c0_i32 : i32, i32
  }
  func.func @transform_2(%arg0: i32) -> (i32, i32, i32) {
    %c0_i32 = arith.constant 0 : i32
    %c0_i32_0 = arith.constant 0 : i32
    %c0_i32_1 = arith.constant 0 : i32
    return %arg0, %c0_i32, %c0_i32_0 : i32, i32, i32
  }
  func.func @transform_3(%arg0: i32) -> (i32, i32) {
    %c0_i32 = arith.constant 0 : i32
    %c0_i32_0 = arith.constant 0 : i32
    %c0_i32_1 = arith.constant 0 : i32
    return %c0_i32, %c0_i32_0 : i32, i32
  }
}

module attributes {stable_mosaic.version = 14 : i64} {
  func.func @_final_kernel(%arg0: memref<8x2048xf32, #tpu.memory_space<vmem>>, %arg1: memref<8x2048xf32, #tpu.memory_space<vmem>>, %arg2: memref<1x1xf32, #tpu.memory_space<vmem>>) attributes {dimension_semantics = [], scalar_prefetch = 0 : i64, scratch_operands = 0 : i64, tpu.core_type = #tpu.core_type<tc>} {
    %get3A = arith.constant 0 : index
    %get3A_0 = arith.constant 0 : index
    %get3A_1 = vector.load %arg0[%get3A, %get3A_0] : memref<8x2048xf32, #tpu.memory_space<vmem>>, vector<8x2048xf32>
    %get3A_2 = arith.constant 0 : index
    %get3A_3 = arith.constant 0 : index
    %get3A_4 = vector.load %arg1[%get3A_2, %get3A_3] : memref<8x2048xf32, #tpu.memory_space<vmem>>, vector<8x2048xf32>
    %sub3A = arith.subf %get3A_1, %get3A_4 : vector<8x2048xf32>
    %bitcast_convert_type3A = tpu.bitcast %sub3A : vector<8x2048xf32> -> vector<8x2048xi32>
    %ge3A = arith.constant -2147483648 : i32
    %ge3A_5 = vector.broadcast %ge3A : i32 to vector<8x2048xi32>
    %ge3A_6 = arith.cmpi uge, %bitcast_convert_type3A, %ge3A_5 : vector<8x2048xi32>
    %not3A = arith.constant dense<-1> : vector<8x2048xi32>
    %not3A_7 = arith.xori %bitcast_convert_type3A, %not3A : vector<8x2048xi32>
    %or3A = arith.constant -2147483648 : i32
    %or3A_8 = vector.broadcast %or3A : i32 to vector<8x2048xi32>
    %or3A_9 = arith.ori %bitcast_convert_type3A, %or3A_8 : vector<8x2048xi32>
    %select_n3A = arith.select %ge3A_6, %not3A_7, %or3A_9 : vector<8x2048xi1>, vector<8x2048xi32>
    %scan3A = arith.constant 0 : i32
    %scan3A_10 = arith.constant 0 : i32
    %scan3A_11 = arith.constant 32 : i32
    %scan3A_12 = arith.addi %scan3A_10, %scan3A_11 : i32
    %scan3A_13 = arith.constant 1 : i32
    %scan3A_14 = scf.for %scan3A_41 = %scan3A_10 to %scan3A_12 step %scan3A_13 iter_args(%scan3A_42 = %scan3A) -> (i32)  : i32 {
      %shift_right_logical3A = arith.constant -2147483648 : i32
      %shift_right_logical3A_43 = arith.shrui %shift_right_logical3A, %scan3A_41 : i32
      %or3A_44 = arith.ori %scan3A_42, %shift_right_logical3A_43 : i32
      %ge3A_45 = vector.broadcast %or3A_44 : i32 to vector<8x2048xi32>
      %ge3A_46 = arith.cmpi uge, %select_n3A, %ge3A_45 : vector<8x2048xi32>
      %convert_element_type3A_47 = arith.extui %ge3A_46 : vector<8x2048xi1> to vector<8x2048xi32>
      %reduce_sum3A_48 = vector.shape_cast %convert_element_type3A_47 : vector<8x2048xi32> to vector<1x8x2048xi32>
      %reduce_sum3A_49 = arith.constant dense<0> : vector<1xi32>
      %reduce_sum3A_50 = vector.multi_reduction <add>, %reduce_sum3A_48, %reduce_sum3A_49 [1, 2] : vector<1x8x2048xi32> to vector<1xi32>
      %reduce_sum3A_51 = vector.shape_cast %reduce_sum3A_50 : vector<1xi32> to vector<1x1x1xi32>
      %reduce_sum3A_52 = vector.extract %reduce_sum3A_51[0, 0, 0] : i32 from vector<1x1x1xi32>
      %ge3A_53 = arith.constant 11468 : i32
      %ge3A_54 = arith.cmpi sge, %reduce_sum3A_52, %ge3A_53 : i32
      %select_n3A_55 = arith.select %ge3A_54, %or3A_44, %scan3A_42 : i32
      scf.yield %select_n3A_55 : i32
    }
    %scan3A_15 = arith.constant 32 : i32
    %gt3A = vector.broadcast %scan3A_14 : i32 to vector<8x2048xi32>
    %gt3A_16 = arith.cmpi ugt, %select_n3A, %gt3A : vector<8x2048xi32>
    %convert_element_type3A = arith.extui %gt3A_16 : vector<8x2048xi1> to vector<8x2048xi32>
    %convert_element_type3A_17 = arith.sitofp %convert_element_type3A : vector<8x2048xi32> to vector<8x2048xf32>
    %reduce_sum3A = vector.shape_cast %convert_element_type3A_17 : vector<8x2048xf32> to vector<1x8x2048xf32>
    %reduce_sum3A_18 = arith.constant dense<0.000000e+00> : vector<1xf32>
    %reduce_sum3A_19 = vector.multi_reduction <add>, %reduce_sum3A, %reduce_sum3A_18 [1, 2] : vector<1x8x2048xf32> to vector<1xf32>
    %reduce_sum3A_20 = vector.shape_cast %reduce_sum3A_19 : vector<1xf32> to vector<1x1x1xf32>
    %reduce_sum3A_21 = vector.extract %reduce_sum3A_20[0, 0, 0] : f32 from vector<1x1x1xf32>
    %jit3A = arith.constant 0.000000e+00 : f32
    %broadcast_in_dim3A = vector.broadcast %jit3A : f32 to vector<8x2048xf32>
    %select_n3A_22 = arith.select %gt3A_16, %sub3A, %broadcast_in_dim3A : vector<8x2048xi1>, vector<8x2048xf32>
    %reduce_sum3A_23 = vector.shape_cast %select_n3A_22 : vector<8x2048xf32> to vector<1x8x2048xf32>
    %reduce_sum3A_24 = arith.constant dense<0.000000e+00> : vector<1xf32>
    %reduce_sum3A_25 = vector.multi_reduction <add>, %reduce_sum3A_23, %reduce_sum3A_24 [1, 2] : vector<1x8x2048xf32> to vector<1xf32>
    %reduce_sum3A_26 = vector.shape_cast %reduce_sum3A_25 : vector<1xf32> to vector<1x1x1xf32>
    %reduce_sum3A_27 = vector.extract %reduce_sum3A_26[0, 0, 0] : f32 from vector<1x1x1xf32>
    %ge3A_28 = arith.constant -2147483648 : i32
    %ge3A_29 = arith.cmpi uge, %scan3A_14, %ge3A_28 : i32
    %xor3A = arith.constant -2147483648 : i32
    %xor3A_30 = arith.xori %scan3A_14, %xor3A : i32
    %not3A_31 = arith.constant -1 : i32
    %not3A_32 = arith.xori %scan3A_14, %not3A_31 : i32
    %select_n3A_33 = arith.select %ge3A_29, %xor3A_30, %not3A_32 : i32
    %bitcast_convert_type3A_34 = arith.bitcast %select_n3A_33 : i32 to f32
    %sub3A_35 = arith.constant 1.146800e+04 : f32
    %sub3A_36 = arith.subf %sub3A_35, %reduce_sum3A_21 : f32
    %mul3A = arith.mulf %sub3A_36, %bitcast_convert_type3A_34 : f32
    %add3A = arith.addf %reduce_sum3A_27, %mul3A : f32
    %div3A = arith.constant 1.146800e+04 : f32
    %div3A_37 = arith.divf %add3A, %div3A : f32
    %broadcast_in_dim3A_38 = vector.broadcast %div3A_37 : f32 to vector<1x1xf32>
    %swap3A = arith.constant 0 : index
    %swap3A_39 = arith.constant 0 : index
    %swap3A_40 = vector.load %arg2[%swap3A, %swap3A_39] : memref<1x1xf32, #tpu.memory_space<vmem>>, vector<1x1xf32>
    tpu.vector_store %arg2[%swap3A, %swap3A_39], %broadcast_in_dim3A_38 {strides = array<i32>} : memref<1x1xf32, #tpu.memory_space<vmem>>, vector<1x1xf32>,
    return
  }
}

</mosaic_0001>

<sc_bundles>
// kernel: kernel.5.cloned.1.call-start
scs
__scs_entry_jumppad:
0x0: {  	(pc) =	sbr.rel $0x88, $3  }
0x1: {  	(tag) =	ssettag $0x0;
	lr =	simm.s32 $0x1  }
0x2: {  	[smem:$0x3F9F] =	sst lr;
	_ =	strace $0xD0000000  }
0x3: {  	_ = 	snop  }
0x4: {  	_ = 	snop  }
0x5: {  	_ = 	snop  }
0x6: {  	_ = 	snop  }
0x7: {  	_ = 	snop  }
__scs_overlays_trampoline_lowered:
0x8: {  	[smem:$0x3FAE] =	sst s0  }
0x9: {  	[smem:$0x3FAF] =	sst s1  }
0xa: {  	[smem:$0x3FB0] =	sst s2  }
0xb: {  	[smem:$0x3FB1] =	sst s3  }
0xc: {  	[smem:$0x3FB2] =	sst s4  }
0xd: {  	[smem:$0x3FB3] =	sst s5  }
0xe: {  	[smem:$0x3FB4] =	sst s6  }
0xf: {  	[smem:$0x3FB5] =	sst s7  }
0x10: {  	[smem:$0x3FB6] =	sst s8  }
0x11: {  	[smem:$0x3FB7] =	sst s9;
	s0 =	simm.s32 @!p0 $0x0  }
0x12: {  	s1 =	sld [smem:$0x3F9D];
	s0 =	simm.s32 @p0 $0x1  }
0x13: {  	[smem:$0x3FB8] =	sst s0;
	s0 =	simm.s32 @!p1 $0x0  }
0x14: {  	s2 =	sld [smem:$0x3F9C];
	s0 =	simm.s32 @p1 $0x1  }
0x15: {  	[smem:$0x3FB9] =	sst s0;
	s0 =	simm.s32 @!p2 $0x0  }
0x16: {  	s3 =	sld [smem:$0x3FDB];
	s0 =	simm.s32 @p2 $0x1  }
0x17: {  	s4 =	simm.s32 $0x1BF5;
	[smem:$0x3FBB] =	sst s0  }
0x18: {  	s0 =	sld [smem:$0x3F9E];
	_ =	swait.ge [sflag:s4], $0x0  }
0x19: {  	s7 =	sld [smem:$0x3F9F]  }
0x1a: {  	s8 =	sadd.s32 $0xFFFFE003, lr  }
0x1b: {  	s9 =	sadd.s32 $0xFFFFFEF7, lr;
	s5 =	simm.s32 $0xFFFFFFFF;
	p2 =	slt.u32 s8, $0xFFFFF086  }
0x1c: {  	p1 =	slt.u32 s9, $0xF7A;
	s5 =	simm.s32 @!p2 $0x0  }
0x1d: {  	s5 =	simm.s32 @p1 $0x1;
	p0 =	seq.s32 s7, s2  }
0x1e: {  	s7 =	smul.u32 @!p0 $0xF7A, s2;
	p2 =	seq.s32 @!p0 s5, $0x0  }
0x1f: {  	s9 =	smul.u32 $0xF7A, s1;
	s8 =	simm.s32 @!p0 $0x1BF5;
	p2 =	por !p2, p0  }
0x20: {  	[sflag:s8] =	ssyncset.s32 @!p0 $0xFFFFF086;
	s6 =	sadd.s32 @!p0 s3, s7;
	s7 =	simm.s32 @!p0 $0x108  }
0x21: {  	s3 =	sadd.s32 s3, s9;
	s6 =	sadd.s32 @!p0 $0x88, s6;
	s7 =	simm.s32 @p2 $0x1082  }
0x22: {  	[simem:s7], [sflag:s8] =	dma.local @!p0 [hbm:s6], $0xF7A  }
0x23: {  	s9 =	sor.u32 $0xD0000000, s2;
	s6 =	simm.s32 $0x108;
	_ =	swait.ge @!p0 [sflag:s8], $0x0  }
0x24: {  	s3 =	sadd.s32 $0x88, s3;
	s6 =	simm.s32 @!p1 $0x1082;
	[sflag:s4] =	ssyncset.s32 $0xFFFFF086  }
0x25: {  	[simem:s6], [sflag:s4] =	dma.local [hbm:s3], $0xF7A  }
0x26: {  	[smem:$0x3F9F] =	sst s1;
	(tag) =	ssettag s2;
	_ =	strace s9  }
0x27: {  	s1 =	sld [smem:$0x3FAF]  }
0x28: {  	s2 =	sld [smem:$0x3FB0]  }
0x29: {  	s4 =	sld [smem:$0x3FB2]  }
0x2a: {  	p0 =	seq.s32 s5, $0x0;
	s5 =	sld [smem:$0x3FB3]  }
0x2b: {  	s6 =	sld [smem:$0x3FB4]  }
0x2c: {  	s7 =	sld [smem:$0x3FB5]  }
0x2d: {  	s3 =	simm.s32 $0x108;
	s8 =	sld [smem:$0x3FB6]  }
0x2e: {  	s3 =	simm.s32 @!p0 $0x1082;
	s9 =	sld [smem:$0x3FB7]  }
0x2f: {  	lr =	sadd.s32 s0, s3;
	s0 =	sld [smem:$0x3FAE]  }
0x30: {  	s3 =	sld [smem:$0x3FB1]  }
0x31: {  	[smem:$0x3FBA] =	sst s10  }
0x32: {  	s10 =	sld [smem:$0x3FB8];
	_ =	sdelay $0x3  }
0x33: {  	p0 =	seq.s32 s10, $0x1;
	s10 =	sld [smem:$0x3FBA];
	_ =	sdelay $0x3  }
0x34: {  	[smem:$0x3FBA] =	sst s10  }
0x35: {  	s10 =	sld [smem:$0x3FB9];
	_ =	sdelay $0x3  }
0x36: {  	p1 =	seq.s32 s10, $0x1;
	s10 =	sld [smem:$0x3FBA];
	_ =	sdelay $0x3  }
0x37: {  	[smem:$0x3FBA] =	sst s10  }
0x38: {  	s10 =	sld [smem:$0x3FBB]  }
0x39: {  	_ = 	snop;
	(pc) =	sbr.ind lr, $3  }
0x3a: {  	_ = 	snop  }
0x3b: {  	_ = 	snop  }
0x3c: {  	p2 =	seq.s32 s10, $0x1;
	s10 =	sld [smem:$0x3FBA]  }
0x3d: {  	_ =	shalt  }
0x3e: {  	_ =	shalt  }
0x3f: {  	_ =	shalt  }
0x40: {  	_ =	shalt  }
0x41: {  	_ =	shalt  }
0x42: {  	_ =	shalt  }
0x43: {  	_ =	shalt  }
0x44: {  	_ =	shalt  }
0x45: {  	_ =	shalt  }
0x46: {  	_ =	shalt  }
0x47: {  	_ =	shalt  }
0x48: {  	_ =	shalt  }
0x49: {  	_ =	shalt  }
0x4a: {  	_ =	shalt  }
0x4b: {  	_ =	shalt  }
0x4c: {  	_ =	shalt  }
0x4d: {  	_ =	shalt  }
0x4e: {  	_ =	shalt  }
0x4f: {  	_ =	shalt  }
0x50: {  	_ =	shalt  }
0x51: {  	_ =	shalt  }
0x52: {  	_ =	shalt  }
0x53: {  	_ =	shalt  }
0x54: {  	_ =	shalt  }
0x55: {  	_ =	shalt  }
0x56: {  	_ =	shalt  }
0x57: {  	_ =	shalt  }
0x58: {  	_ =	shalt  }
0x59: {  	_ =	shalt  }
0x5a: {  	_ =	shalt  }
0x5b: {  	_ =	shalt  }
0x5c: {  	_ =	shalt  }
0x5d: {  	_ =	shalt  }
0x5e: {  	_ =	shalt  }
0x5f: {  	_ =	shalt  }
0x60: {  	_ =	shalt  }
0x61: {  	_ =	shalt  }
0x62: {  	_ =	shalt  }
0x63: {  	_ =	shalt  }
0x64: {  	_ =	shalt  }
0x65: {  	_ =	shalt  }
0x66: {  	_ =	shalt  }
0x67: {  	_ =	shalt  }
0x68: {  	_ =	shalt  }
0x69: {  	_ =	shalt  }
0x6a: {  	_ =	shalt  }
0x6b: {  	_ =	shalt  }
0x6c: {  	_ =	shalt  }
0x6d: {  	_ =	shalt  }
0x6e: {  	_ =	shalt  }
0x6f: {  	_ =	shalt  }
0x70: {  	_ =	shalt  }
0x71: {  	_ =	shalt  }
0x72: {  	_ =	shalt  }
0x73: {  	_ =	shalt  }
0x74: {  	_ =	shalt  }
0x75: {  	_ =	shalt  }
0x76: {  	_ =	shalt  }
0x77: {  	_ =	shalt  }
0x78: {  	_ =	shalt  }
0x79: {  	_ =	shalt  }
0x7a: {  	_ =	shalt  }
0x7b: {  	_ =	shalt  }
0x7c: {  	_ =	shalt  }
0x7d: {  	_ =	shalt  }
0x7e: {  	_ =	shalt  }
0x7f: {  	_ =	shalt  }
0x80: {  	_ =	shalt  }
0x81: {  	_ =	shalt  }
0x82: {  	_ =	shalt  }
0x83: {  	_ =	shalt  }
0x84: {  	_ =	shalt  }
0x85: {  	_ =	shalt  }
0x86: {  	_ =	shalt  }
0x87: {  	_ =	shalt  }
.Lfunc_end0:
.L_simem_size_0:
called_computation_lowered:
.L_overlay_start_0:
0x88: {  	s2 =	sld [smem:$0x3FD9]  }
0x89: {  	s3 =	sld [smem:$0x3FFE];
	_ =	sdelay $0x1  }
0x8a: {  	s1 =	srdreg.scid  }
0x8b: {  	s0 =	sand.u32 $0x1, s1  }
0x8c: {  	s16 =	sshll.u32 s0, $0xA;
	s2 =	sadd.s32 s3, s2  }
0x8d: {  	s2 =	sadd.s32 s2, s16  }
0x8e: {  	[smem:$0x3FC6] =	sst s2  }
0x8f: {  	_ = 	snop  }
0x90: {  	(tm) =	ssettm $0x1  }
0x91: {  	s17 =	sld [smem:$0x3FFB];
	_ =	sdelay $0x3  }
0x92: {  	_ =	strace s17  }
0x93: {  	s2 =	sld [smem:$0x3FFC];
	_ =	sdelay $0x3  }
0x94: {  	_ =	strace s2  }
0x95: {  	s2 =	sld [smem:$0x3FFD];
	_ =	sdelay $0x3  }
0x96: {  	_ =	strace s2  }
0x97: {  	_ =	strace $0x8FFFFFFF  }
0x98: {  	s18 =	sld [smem:$0x3FDB];
	_ =	sdelay $0x1  }
0x99: {  	s19 =	simm.s32 $_scs_section_size  }
0x9a: {  	s4 =	simm.s32 $_size__tile_overlayer_lowered;
	s5 =	simm.s32 $_tile_overlayer_lowered  }
0x9b: {  	s22 =	simm.s32 $0x1BFF;
	s21 =	sshll.u32 s5, $0x1;
	s2 =	sadd.s32 s19, s18  }
0x9c: {  	s6 =	simm.s32 $0x0;
	s20 =	sshll.u32 s4, $0x1;
	s4 =	sadd.s32 s21, s2  }
0x9d: {  	[timem:s6], [sflag:s22] =	dma.local [hbm:s4], s20  }
0x9e: {  	_ =	swait.ge [sflag:s22], s20  }
0x9f: {  	s3 =	ssub.s32 $0x0, s20;
	[sflag:s22] =	ssyncset.done $0x0  }
0xa0: {  	[sflag:s22] =	ssyncadd.s32 s3;
	_ =	sdelay $0x1  }
0xa1: {  	s23 =	simm.s32 $0x1B8B  }
0xa2: {  	_ =	swait.ge [sflag:s23], $0x1  }
0xa3: {  	[sflag:s23] =	ssyncset.done $0x0  }
0xa4: {  	s25 =	simm.s32 $0x1B8E;
	s24 =	sld [smem:$0x3FFE];
	[sflag:s23] =	ssyncadd.s32 $0xFFFFFFFF  }
0xa5: {  	s26 =	simm.s32 $execute0_lowered;
	[smem:$0x3FD2] =	sst s25  }
0xa6: {  	s4 =	sshll.u32 s26, $0x1;
	_ =	strace $0x80000046;
	[dreg:$0x1] =	wrdreg $0xFFFFFFFF  }
0xa7: {  	s28 =	simm.s32 $_size_execute0_lowered;
	s2 =	sadd.s32 s2, s4;
	[dreg:$0x0] =	wrdreg $0x0  }
0xa8: {  	s4 =	sshll.u32 s28, $0x1;
	[dreg:$0x2] =	wrdreg s2  }
0xa9: {  	[dreg:$0x3] =	wrdreg s4  }
0xaa: {  	[dreg:$0x4] =	wrdreg $0xC0  }
0xab: {  	_ =	task [dreg:s6], $0x5FFFF  }
0xac: {  	[dreg:$0x1] =	wrdreg $0xFFFFFFFF  }
0xad: {  	[dreg:$0x0] =	wrdreg $0x60  }
0xae: {  	[dreg:$0x2] =	wrdreg s24  }
0xaf: {  	[dreg:$0x3] =	wrdreg $0x9  }
0xb0: {  	_ =	task.clear_ibuf [dreg:s6], $0x4FFFF;
	_ =	strace $0x90000046  }
0xb1: {  	s29 =	simm.s32 $0x9;
	_ =	strace $0x80000048  }
0xb2: {  	_ =	swait.ge [sflag:s29], $0x1  }
0xb3: {  	[sflag:s29] =	ssyncadd.s32 $0xFFFFFFFF  }
0xb4: {  	_ =	strace $0x90000048  }
0xb5: {  	_ =	sfence  }
0xb6: {  	s30 =	sld [smem:$0x0];
	_ =	sdelay $0x2  }
0xb7: {  	s31 =	sshll.u32 s1, $0xD;
	s1 =	sshrl.u32 s1, $0x2  }
0xb8: {  	s3 =	sand.u32 $0x4000, s31;
	s1 =	sadd.s32 s1, s30  }
0xb9: {  	s0 =	sor.u32 s3, s0;
	s1 =	sshll.u32 s1, $0x11  }
0xba: {  	s0 =	sor.u32 s1, s0  }
0xbb: {  	s0 =	sadd.s32 $0x8F2B, s0  }
0xbc: {  	[sflag:s0] =	ssyncadd.remote.s32 $0x1  }
0xbd: {  	_ =	sfence.sel $0xFFFF  }
0xbe: {  	[dreg:$0x0] =	wrdreg $0xFFFFFFFF;
	(pc) =	sbr.abs _section_cstart, $3  }
0xbf: {  	[dreg:$0x1] =	wrdreg $0xFFFFFFFF  }
0xc0: {  	_ =	task.clear_ibuf [dreg:s6], $0x2FFFF;
	_ =	strace $0x9FFFFFFF  }
0xc1: {  	(tm) =	ssettm $0x7FFFFFFF  }
tec
execute0_lowered:
.L_overlay_start_1:
0x0: {  	(tag) =	ssettag $0x1  }
0x1: {  	s3 =	rddreg [dreg:$0x0];
	s2 =	srdreg.scid  }
0x2: {  	s0 =	rddreg [dreg:$0x1];
	s1 =	stileid.u32  }
0x3: {  	s8 =	simm.s32 $0x2;
	s9 =	simm.s32 $0x400;
	s10 =	simm.s32 $0x1  }
0x4: {  	s11 =	simm.s32 $0x2400;
	s12 =	simm.s32 $0x0;
	s4 =	sand.u32 $0x1, s2  }
0x5: {  	s2 =	simm.s32 $0x0;
	s5 =	sshll.u32 s1, $0x7;
	s6 =	sshll.u32 s4, $0x6  }
0x6: {  	[smem:$0x7FF] =	sst s2;
	s31 =	ssub.s32 $0x2, s4;
	s5 =	sor.u32 s6, s5  }
0x7: {  	_ =	strace $0x80000047;
	s7 =	sshrl.u32 s31, $0x1;
	s6 =	sadd.s32 s5, s3  }
0x8: {  	v0 =	vlaneseq.u32;
	s3 =	sadd.s32 $0x200A00, s3;
	s7 =	ssub.s32 s31, s7;
	s4 =	sadd.s32 $0x3F5200, s6  }
0x9: {  	v0 =	vmul.u32 $0x10, v0;
	s5 =	sadd.s32 $0x3F4A00, s6;
	s6 =	sadd.s32 $0x3F5A00, s6;
	s7 =	smax.u32 s7, $0x1  }
.LBB2_1:
0xa: {  	[tilespmem:s2], [sflag:$0x2] =	stream.linear.gather [hbm4b:s4+s2], $0x200, $0x38;
	[tilespmem:$0x2600] =	vst v63  }
0xb: {  	_ =	swait.ge [sflag:s8], $0x200  }
0xc: {  	[sflag:s8] =	ssyncset.done $0x0  }
0xd: {  	s13 =	simm.s32 $0x200;
	[sflag:s8] =	ssyncadd.s32 $0xFFFFFE00  }
0xe: {  	[tilespmem:s13], [sflag:$0x2] =	stream.linear.gather [hbm4b:s5+s2], $0x200, $0x38;
	[tilespmem:$0x2600] =	vst v63  }
0xf: {  	_ =	swait.ge [sflag:s8], $0x200  }
0x10: {  	[sflag:s8] =	ssyncset.done $0x0  }
0x11: {  	[sflag:s8] =	ssyncadd.s32 $0xFFFFFE00  }
0x12: {  	[tilespmem:s9], [sflag:$0x1] =	stream.indirect.gather [hbm4b:s3+s13], $0x10, s2, s13, $0xb8;
	[tilespmem:$0x2600] =	vst v63  }
0x13: {  	_ =	swait.ge [sflag:s10], $0x2000  }
0x14: {  	[sflag:s10] =	ssyncset.done $0x0  }
0x15: {  	[sflag:s10] =	ssyncadd.s32 $0xFFFFE000  }
0x16: {  	v1 =	vld [tilespmem:s13+$0x0];
	_ =	sdelay $0x2  }
0x17: {  	v2 =	vmov s2  }
0x18: {  	v2 =	vshll.u32 v2, $0x4  }
0x19: {  	v2 =	vor.u32 v0, v2;
	v3 =	vand.u32 $0xFFFFFFF8, v1  }
0x1a: {  	v1 =	vand.u32 $0x7, v1;
	v2 =	vadd.s32 v2, v3  }
0x1b: {  	v1 =	vor.u32 v1, v2;
	_ =	sdelay $0x4  }
0x1c: {  	v1 =	vld.idx.msk [tilespmem:v1+s9+$0x0], $0xffff;
	_ =	sdelay $0x4  }
0x1d: {  	s14 =	simm.s32 $0x210;
	[tilespmem:s11+$0x0] =	vst v1  }
0x1e: {  	s15 =	simm.s32 $0x10;
	s16 =	simm.s32 $0x20;
	s13 =	simm.s32 $0x2400;
	v1 =	vld [tilespmem:s14+$0x0]  }
.LBB2_2:
0x1f: {  	p0 =	sne.s32 s16, $0x1F0;
	_ =	sdelay $0x1  }
0x20: {  	v2 =	vmov s15;
	s15 =	smov.u32 s16  }
0x21: {  	v2 =	vshll.u32 v2, $0x4  }
0x22: {  	v2 =	vor.u32 v0, v2;
	v3 =	vand.u32 $0xFFFFFFF8, v1  }
0x23: {  	v1 =	vand.u32 $0x7, v1;
	v2 =	vadd.s32 v2, v3  }
0x24: {  	v1 =	vor.u32 v1, v2;
	_ =	sdelay $0x4  }
0x25: {  	v1 =	vld.idx.msk [tilespmem:v1+s9+$0x0], $0xffff;
	_ =	sdelay $0x2  }
.Ltmp0:
0x26: {  	(pc) =	sbr.rel @p0 .LBB2_2-.Ltmp0, $4  }
0x27: {  	_ = 	snop  }
0x28: {  	s13 =	sadd.s32 $0x10, s13  }
0x29: {  	s14 =	sadd.s32 $0x10, s14;
	[tilespmem:s13+$0x0] =	vst v1  }
0x2a: {  	s16 =	sadd.s32 $0x10, s16;
	v1 =	vld [tilespmem:s14+$0x0]  }
0x2b: {  	_ =	sdelay $0x1  }
0x2c: {  	v2 =	vmov s15  }
0x2d: {  	v2 =	vshll.u32 v2, $0x4  }
0x2e: {  	v2 =	vor.u32 v0, v2;
	v3 =	vand.u32 $0xFFFFFFF8, v1  }
0x2f: {  	v1 =	vand.u32 $0x7, v1;
	v2 =	vadd.s32 v2, v3  }
0x30: {  	v1 =	vor.u32 v1, v2;
	_ =	sdelay $0x4  }
0x31: {  	v1 =	vld.idx.msk [tilespmem:v1+s9+$0x0], $0xffff;
	_ =	sdelay $0x2  }
0x32: {  	s12 =	sadd.s32 $0x1, s12  }
0x33: {  	s13 =	sadd.s32 $0x10, s13;
	p0 =	sne.s32 s12, s7  }
.Ltmp1:
0x34: {  	[tilespmem:s13+$0x0] =	vst v1;
	(pc) =	sbr.rel @p0 .LBB2_1-.Ltmp1, $4  }
0x35: {  	[hbm4b:s6+s2] =	stream.linear.scatter [tilespmem:s11], [sflag:$0x2], $0x200, $0x38;
	[tilespmem:$0x2600] =	vst v63  }
0x36: {  	_ =	swait.ge [sflag:s8], $0x200  }
0x37: {  	[sflag:s8] =	ssyncset.done $0x0  }
0x38: {  	[sflag:s8] =	ssyncadd.s32 $0xFFFFFE00  }
0x39: {  	_ =	sfence.sel $0x180000  }
0x3a: {  	[bflag:$0x0] =	sbarrier.arrive $0xFFFF  }
0x3b: {  	p0 =	sne.s32 s1, $0x0;
	_ =	strace $0x90000047  }
0x3c: {  	s0 =	sadd.s32 @!p0 $0x100000, s0;
	[bflag:$0x2] =	sbarrier.arrive $0xFFFF  }
0x3d: {  	[sflag:s0] =	ssyncadd.tile.s32 @!p0 $0x1;
	_ =	shalt  }
.Lfunc_end2:
_tile_overlayer_lowered:
.L_overlay_start_2:
0x3e: {  	(tag) =	ssettag $0x2  }
0x3f: {  	s0 =	rddreg [dreg:$0x0];
	s2 =	stileid.u32  }
0x40: {  	s1 =	rddreg [dreg:$0x1];
	p0 =	sne.s32 s2, $0x0  }
0x41: {  	s3 =	rddreg [dreg:$0x2];
	[bflag:$0x3] =	sbarrier.arrive $0xFFFF;
	s2 =	simm.s32 @!p0 $0x1C02  }
0x42: {  	[timem:s3], [sflag:s2] =	dma.local @!p0 [hbm:s0], s1  }
0x43: {  	s0 =	simm.s32 @!p0 $0x2  }
0x44: {  	_ =	swait.ge @!p0 [sflag:s0], s1  }
0x45: {  	s1 =	ssub.s32 @!p0 $0x0, s1;
	[sflag:s0] =	ssyncset.done @!p0 $0x0  }
0x46: {  	[sflag:s0] =	ssyncadd.s32 @!p0 s1  }
0x47: {  	[bflag:$0x3] =	sbarrier.arrive $0xFFFF  }
0x48: {  	_ =	shalt  }

</sc_bundles>
